<compile_context>
chip_gen: v7x
topology: tpu7x:2x2x1
jax: 0.10.2.dev20260603
libtpu: 0.0.44.dev20260713+nightly
codegen_flags: <defaults>
</compile_context>

<pallas_src>
import functools

import jax
import jax.numpy as jnp
from jax import lax
from jax.experimental import pallas as pl
from jax.experimental.pallas import tpu as pltpu
from jax.experimental.pallas import tpu_sc as plsc

T = 1000
DIM = 128
BATCH = 16384

_info = plsc.get_sparse_core_info()
_NC = _info.num_cores
_NS = _info.num_subcores
_NW = _NC * _NS
_BPW = BATCH // _NW
_CHUNK = 128
_NCHUNK = _BPW // _CHUNK

_mesh = plsc.VectorSubcoreMesh(core_axis_name="c", subcore_axis_name="s")


_STAGE = 64


@functools.partial(
    pl.kernel,
    mesh=_mesh,
    out_type=jax.ShapeDtypeStruct((BATCH, DIM), jnp.float32),
    scratch_types=[
        pltpu.VMEM((_BPW,), jnp.int32),
        pltpu.VMEM((_BPW, DIM), jnp.float32),
        pltpu.VMEM_SHARED((T, DIM), jnp.float32),
        pltpu.SemaphoreType.DMA,
        pltpu.SemaphoreType.DMA,
        pltpu.SemaphoreType.DMA,
    ],
)
def _gather_kernel(idx_hbm, table_hbm, out_hbm, idx_v, rows_v, table_sp,
                   sem_g, sem_g2, sem_s):
    sid = lax.axis_index("s")
    wid = sid * _NC + lax.axis_index("c")
    base = wid * _BPW

    idx_cp = pltpu.async_copy(idx_hbm.at[pl.ds(base, _BPW)], idx_v, sem_g2)

    @pl.when(sid < 15)
    def _():
        pltpu.sync_copy(
            table_hbm.at[pl.ds(sid * _STAGE, _STAGE)],
            table_sp.at[pl.ds(sid * _STAGE, _STAGE)],
        )

    @pl.when(sid == 15)
    def _():
        pltpu.sync_copy(
            table_hbm.at[pl.ds(15 * _STAGE, T - 15 * _STAGE)],
            table_sp.at[pl.ds(15 * _STAGE, T - 15 * _STAGE)],
        )
    idx_cp.wait()
    plsc.subcore_barrier()

    gathers = [
        pltpu.async_copy(
            table_sp.at[idx_v.at[pl.ds(j * _CHUNK, _CHUNK)]],
            rows_v.at[pl.ds(j * _CHUNK, _CHUNK)],
            sem_g,
        )
        for j in range(_NCHUNK)
    ]
    scatters = []
    for j in range(_NCHUNK):
        gathers[j].wait()
        scatters.append(
            pltpu.async_copy(
                rows_v.at[pl.ds(j * _CHUNK, _CHUNK)],
                out_hbm.at[pl.ds(base + j * _CHUNK, _CHUNK)],
                sem_s,
            )
        )
    for s in scatters:
        s.wait()


def kernel(timestep, embedding):
    return _gather_kernel(jnp.asarray(timestep, jnp.int32), embedding)

# --- scband reference (transcript-rebuilt; emitter-appended) ---
"""Pipeline reference for scband-time-positional-embedding-24885040513366 (READ-ONLY COPY).

The authoritative reference and input builder live on the scoring server;
editing this copy changes nothing except your own understanding.
"""

import jax, jax.numpy as jnp
import numpy as np

T = 1000
DIM = 128
BATCH = 16384

def _build_embedding():
    position = jnp.arange(0, T, dtype=jnp.float32)[:, None]
    div_term = jnp.exp(jnp.arange(0, DIM, 2, dtype=jnp.float32) * (-np.log(10000.0) / DIM))
    emb = jnp.zeros((T, DIM), dtype=jnp.float32)
    emb = emb.at[:, 0::2].set(jnp.sin(position * div_term))
    emb = emb.at[:, 1::2].set(jnp.cos(position * div_term))
    return emb

def setup_inputs(seed: int = 0) -> dict:
    key = jax.random.key(seed)
    timestep = jax.random.randint(key, (BATCH,), 0, T, dtype=jnp.int64 if jax.config.jax_enable_x64 else jnp.int32)
    embedding = _build_embedding()
    return {"timestep": timestep, "embedding": embedding}

def reference(timestep, embedding):
    return jnp.take(embedding, timestep, axis=0)

if __name__ == "__main__":
    import jax
    _d = setup_inputs()
    print(jax.jit(kernel)(*tuple(_d.values())))

</pallas_src>

<mosaic_0001>
#map = affine_map<(d0, d1) -> (0)>
#map1 = affine_map<(d0, d1) -> (0, 0)>
module attributes {stable_mosaic.version = 14 : i64} {
  func.func @_gather_kernel(%arg0: i32, %arg1: i32, %arg2: memref<16384xi32, #tpu.memory_space<hbm>>, %arg3: memref<1000x128xf32, #tpu.memory_space<hbm>>, %arg4: memref<16384x128xf32, #tpu.memory_space<hbm>>, %arg5: memref<512xi32, #tpu.memory_space<vmem>>, %arg6: memref<512x128xf32, #tpu.memory_space<vmem>>, %arg7: memref<1000x128xf32, #tpu.memory_space<vmem_shared>>, %arg8: memref<!tpu.dma_semaphore, #tpu.memory_space<semaphore_mem>>, %arg9: memref<!tpu.dma_semaphore, #tpu.memory_space<semaphore_mem>>, %arg10: memref<!tpu.dma_semaphore, #tpu.memory_space<semaphore_mem>>) attributes {dimension_semantics = [#tpu.dimension_semantics<core_parallel>, #tpu.dimension_semantics<subcore_parallel>], iteration_bounds = array<i64: 2, 16>, scalar_prefetch = 0 : i64, scratch_operands = 6 : i64, tpu.core_type = #tpu.core_type<sc_vector_subcore>, window_params = [{transform_indices = #map}, {transform_indices = #map1}, {transform_indices = #map1}]} {
    %mul3A = arith.constant 2 : i32
    %mul3A_0 = arith.muli %arg1, %mul3A : i32
    %add3A = arith.addi %mul3A_0, %arg0 : i32
    %mul3A_1 = arith.constant 512 : i32
    %mul3A_2 = arith.muli %add3A, %mul3A_1 : i32
    %dma_start3A = tpu.memref_slice %arg2[%mul3A_2] : memref<16384xi32, #tpu.memory_space<hbm>> -> memref<512xi32, #tpu.memory_space<hbm>>
    %dma_start3A_3 = tpu.memref_slice %arg2[%mul3A_2] : memref<16384xi32, #tpu.memory_space<hbm>> -> memref<512xi32, #tpu.memory_space<hbm>>
    tpu.enqueue_dma source(%dma_start3A_3 : memref<512xi32, #tpu.memory_space<hbm>>) target(%arg5 : memref<512xi32, #tpu.memory_space<vmem>>) target_semaphore(%arg9 : memref<!tpu.dma_semaphore, #tpu.memory_space<semaphore_mem>>)
    %lt3A = arith.constant 15 : i32
    %lt3A_4 = arith.cmpi slt, %arg1, %lt3A : i32
    %convert_element_type3A = arith.extui %lt3A_4 : i1 to i32
    %cond3A = arith.constant 0 : i32
    %cond3A_5 = arith.cmpi ne, %convert_element_type3A, %cond3A : i32
    scf.if %cond3A_5 {
      %mul3A_163 = arith.constant 64 : i32
      %mul3A_164 = arith.muli %arg1, %mul3A_163 : i32
      %mul3A_165 = arith.constant 64 : i32
      %mul3A_166 = arith.muli %arg1, %mul3A_165 : i32
      "tpu.region"() ({
        %run_scoped3A = tpu.sem_alloc : memref<!tpu.dma_semaphore, #tpu.memory_space<semaphore_mem>>
        %dma_start3A_167 = arith.constant 0 : i32
        %dma_start3A_168 = tpu.memref_slice %arg7[%mul3A_166, %dma_start3A_167] : memref<1000x128xf32, #tpu.memory_space<vmem_shared>> -> memref<64x128xf32, #tpu.memory_space<vmem_shared>>
        %dma_start3A_169 = arith.constant 0 : i32
        %dma_start3A_170 = tpu.memref_slice %arg3[%mul3A_164, %dma_start3A_169] : memref<1000x128xf32, #tpu.memory_space<hbm>> -> memref<64x128xf32, #tpu.memory_space<hbm>>
        tpu.enqueue_dma source(%dma_start3A_170 : memref<64x128xf32, #tpu.memory_space<hbm>>) target(%dma_start3A_168 : memref<64x128xf32, #tpu.memory_space<vmem_shared>>) target_semaphore(%run_scoped3A : memref<!tpu.dma_semaphore, #tpu.memory_space<semaphore_mem>>)
        %dma_wait3A_171 = arith.constant 0 : i32
        %dma_wait3A_172 = tpu.memref_slice %arg7[%mul3A_166, %dma_wait3A_171] : memref<1000x128xf32, #tpu.memory_space<vmem_shared>> -> memref<64x128xf32, #tpu.memory_space<vmem_shared>>
        %dma_wait3A_173 = arith.constant 0 : i32
        %dma_wait3A_174 = tpu.memref_slice %arg3[%mul3A_164, %dma_wait3A_173] : memref<1000x128xf32, #tpu.memory_space<hbm>> -> memref<64x128xf32, #tpu.memory_space<hbm>>
        tpu.wait_dma2 semaphore(%run_scoped3A : memref<!tpu.dma_semaphore, #tpu.memory_space<semaphore_mem>>) src(%dma_wait3A_174 : memref<64x128xf32, #tpu.memory_space<hbm>>) dst(%dma_wait3A_172 : memref<64x128xf32, #tpu.memory_space<vmem_shared>>)
        tpu.yield
      }) : () -> ()
    } else {
    }
    %eq3A = arith.constant 15 : i32
    %eq3A_6 = arith.cmpi eq, %arg1, %eq3A : i32
    %convert_element_type3A_7 = arith.extui %eq3A_6 : i1 to i32
    %cond3A_8 = arith.constant 0 : i32
    %cond3A_9 = arith.cmpi ne, %convert_element_type3A_7, %cond3A_8 : i32
    scf.if %cond3A_9 {
      "tpu.region"() ({
        %run_scoped3A = tpu.sem_alloc : memref<!tpu.dma_semaphore, #tpu.memory_space<semaphore_mem>>
        %dma_start3A_163 = arith.constant 960 : i32
        %dma_start3A_164 = arith.constant 0 : i32
        %dma_start3A_165 = tpu.memref_slice %arg7[%dma_start3A_163, %dma_start3A_164] : memref<1000x128xf32, #tpu.memory_space<vmem_shared>> -> memref<40x128xf32, #tpu.memory_space<vmem_shared>>
        %dma_start3A_166 = arith.constant 960 : i32
        %dma_start3A_167 = arith.constant 0 : i32
        %dma_start3A_168 = tpu.memref_slice %arg3[%dma_start3A_166, %dma_start3A_167] : memref<1000x128xf32, #tpu.memory_space<hbm>> -> memref<40x128xf32, #tpu.memory_space<hbm>>
        tpu.enqueue_dma source(%dma_start3A_168 : memref<40x128xf32, #tpu.memory_space<hbm>>) target(%dma_start3A_165 : memref<40x128xf32, #tpu.memory_space<vmem_shared>>) target_semaphore(%run_scoped3A : memref<!tpu.dma_semaphore, #tpu.memory_space<semaphore_mem>>)
        %dma_wait3A_169 = arith.constant 960 : i32
        %dma_wait3A_170 = arith.constant 0 : i32
        %dma_wait3A_171 = tpu.memref_slice %arg7[%dma_wait3A_169, %dma_wait3A_170] : memref<1000x128xf32, #tpu.memory_space<vmem_shared>> -> memref<40x128xf32, #tpu.memory_space<vmem_shared>>
        %dma_wait3A_172 = arith.constant 960 : i32
        %dma_wait3A_173 = arith.constant 0 : i32
        %dma_wait3A_174 = tpu.memref_slice %arg3[%dma_wait3A_172, %dma_wait3A_173] : memref<1000x128xf32, #tpu.memory_space<hbm>> -> memref<40x128xf32, #tpu.memory_space<hbm>>
        tpu.wait_dma2 semaphore(%run_scoped3A : memref<!tpu.dma_semaphore, #tpu.memory_space<semaphore_mem>>) src(%dma_wait3A_174 : memref<40x128xf32, #tpu.memory_space<hbm>>) dst(%dma_wait3A_171 : memref<40x128xf32, #tpu.memory_space<vmem_shared>>)
        tpu.yield
      }) : () -> ()
    } else {
    }
    %dma_wait3A = tpu.memref_slice %arg2[%mul3A_2] : memref<16384xi32, #tpu.memory_space<hbm>> -> memref<512xi32, #tpu.memory_space<hbm>>
    %dma_wait3A_10 = tpu.memref_slice %arg2[%mul3A_2] : memref<16384xi32, #tpu.memory_space<hbm>> -> memref<512xi32, #tpu.memory_space<hbm>>
    tpu.wait_dma2 semaphore(%arg9 : memref<!tpu.dma_semaphore, #tpu.memory_space<semaphore_mem>>) src(%dma_wait3A_10 : memref<512xi32, #tpu.memory_space<hbm>>) dst(%arg5 : memref<512xi32, #tpu.memory_space<vmem>>)
    %barrier3A = arith.constant 0 : index
    tpu.barrier barrier_id(%barrier3A)
    %dma_start3A_11 = arith.constant 0 : i32
    %dma_start3A_12 = arith.constant 0 : i32
    %dma_start3A_13 = tpu.memref_slice %arg6[%dma_start3A_11, %dma_start3A_12] : memref<512x128xf32, #tpu.memory_space<vmem>> -> memref<128x128xf32, #tpu.memory_space<vmem>>
    %dma_start3A_14 = arith.constant 0 : i32
    %dma_start3A_15 = tpu.memref_slice %arg5[%dma_start3A_14] : memref<512xi32, #tpu.memory_space<vmem>> -> memref<128xi32, #tpu.memory_space<vmem>>
    %dma_start3A_16 = arith.constant 0 : i32
    %dma_start3A_17 = arith.constant 0 : i32
    %dma_start3A_18 = tpu.memref_slice %arg7[%dma_start3A_16, %dma_start3A_17] : memref<1000x128xf32, #tpu.memory_space<vmem_shared>> -> memref<1000x128xf32, #tpu.memory_space<vmem_shared>>
    tpu.enqueue_indirect_dma source(%dma_start3A_18 : memref<1000x128xf32, #tpu.memory_space<vmem_shared>>) target(%dma_start3A_13 : memref<128x128xf32, #tpu.memory_space<vmem>>) offsets(%dma_start3A_15 : memref<128xi32, #tpu.memory_space<vmem>>) semaphore(%arg8 : memref<!tpu.dma_semaphore, #tpu.memory_space<semaphore_mem>>)
    %dma_start3A_19 = arith.constant 128 : i32
    %dma_start3A_20 = arith.constant 0 : i32
    %dma_start3A_21 = tpu.memref_slice %arg6[%dma_start3A_19, %dma_start3A_20] : memref<512x128xf32, #tpu.memory_space<vmem>> -> memref<128x128xf32, #tpu.memory_space<vmem>>
    %dma_start3A_22 = arith.constant 128 : i32
    %dma_start3A_23 = tpu.memref_slice %arg5[%dma_start3A_22] : memref<512xi32, #tpu.memory_space<vmem>> -> memref<128xi32, #tpu.memory_space<vmem>>
    %dma_start3A_24 = arith.constant 0 : i32
    %dma_start3A_25 = arith.constant 0 : i32
    %dma_start3A_26 = tpu.memref_slice %arg7[%dma_start3A_24, %dma_start3A_25] : memref<1000x128xf32, #tpu.memory_space<vmem_shared>> -> memref<1000x128xf32, #tpu.memory_space<vmem_shared>>
    tpu.enqueue_indirect_dma source(%dma_start3A_26 : memref<1000x128xf32, #tpu.memory_space<vmem_shared>>) target(%dma_start3A_21 : memref<128x128xf32, #tpu.memory_space<vmem>>) offsets(%dma_start3A_23 : memref<128xi32, #tpu.memory_space<vmem>>) semaphore(%arg8 : memref<!tpu.dma_semaphore, #tpu.memory_space<semaphore_mem>>)
    %dma_start3A_27 = arith.constant 256 : i32
    %dma_start3A_28 = arith.constant 0 : i32
    %dma_start3A_29 = tpu.memref_slice %arg6[%dma_start3A_27, %dma_start3A_28] : memref<512x128xf32, #tpu.memory_space<vmem>> -> memref<128x128xf32, #tpu.memory_space<vmem>>
    %dma_start3A_30 = arith.constant 256 : i32
    %dma_start3A_31 = tpu.memref_slice %arg5[%dma_start3A_30] : memref<512xi32, #tpu.memory_space<vmem>> -> memref<128xi32, #tpu.memory_space<vmem>>
    %dma_start3A_32 = arith.constant 0 : i32
    %dma_start3A_33 = arith.constant 0 : i32
    %dma_start3A_34 = tpu.memref_slice %arg7[%dma_start3A_32, %dma_start3A_33] : memref<1000x128xf32, #tpu.memory_space<vmem_shared>> -> memref<1000x128xf32, #tpu.memory_space<vmem_shared>>
    tpu.enqueue_indirect_dma source(%dma_start3A_34 : memref<1000x128xf32, #tpu.memory_space<vmem_shared>>) target(%dma_start3A_29 : memref<128x128xf32, #tpu.memory_space<vmem>>) offsets(%dma_start3A_31 : memref<128xi32, #tpu.memory_space<vmem>>) semaphore(%arg8 : memref<!tpu.dma_semaphore, #tpu.memory_space<semaphore_mem>>)
    %dma_start3A_35 = arith.constant 384 : i32
    %dma_start3A_36 = arith.constant 0 : i32
    %dma_start3A_37 = tpu.memref_slice %arg6[%dma_start3A_35, %dma_start3A_36] : memref<512x128xf32, #tpu.memory_space<vmem>> -> memref<128x128xf32, #tpu.memory_space<vmem>>
    %dma_start3A_38 = arith.constant 384 : i32
    %dma_start3A_39 = tpu.memref_slice %arg5[%dma_start3A_38] : memref<512xi32, #tpu.memory_space<vmem>> -> memref<128xi32, #tpu.memory_space<vmem>>
    %dma_start3A_40 = arith.constant 0 : i32
    %dma_start3A_41 = arith.constant 0 : i32
    %dma_start3A_42 = tpu.memref_slice %arg7[%dma_start3A_40, %dma_start3A_41] : memref<1000x128xf32, #tpu.memory_space<vmem_shared>> -> memref<1000x128xf32, #tpu.memory_space<vmem_shared>>
    tpu.enqueue_indirect_dma source(%dma_start3A_42 : memref<1000x128xf32, #tpu.memory_space<vmem_shared>>) target(%dma_start3A_37 : memref<128x128xf32, #tpu.memory_space<vmem>>) offsets(%dma_start3A_39 : memref<128xi32, #tpu.memory_space<vmem>>) semaphore(%arg8 : memref<!tpu.dma_semaphore, #tpu.memory_space<semaphore_mem>>)
    %dma_wait3A_43 = arith.constant 0 : i32
    %dma_wait3A_44 = arith.constant 0 : i32
    %dma_wait3A_45 = tpu.memref_slice %arg6[%dma_wait3A_43, %dma_wait3A_44] : memref<512x128xf32, #tpu.memory_space<vmem>> -> memref<128x128xf32, #tpu.memory_space<vmem>>
    %dma_wait3A_46 = arith.constant 0 : i32
    %dma_wait3A_47 = tpu.memref_slice %arg5[%dma_wait3A_46] : memref<512xi32, #tpu.memory_space<vmem>> -> memref<128xi32, #tpu.memory_space<vmem>>
    %dma_wait3A_48 = arith.constant 0 : i32
    %dma_wait3A_49 = arith.constant 0 : i32
    %dma_wait3A_50 = tpu.memref_slice %arg7[%dma_wait3A_48, %dma_wait3A_49] : memref<1000x128xf32, #tpu.memory_space<vmem_shared>> -> memref<1000x128xf32, #tpu.memory_space<vmem_shared>>
    tpu.wait_indirect_dma semaphore(%arg8 : memref<!tpu.dma_semaphore, #tpu.memory_space<semaphore_mem>>) src(%dma_wait3A_50 : memref<1000x128xf32, #tpu.memory_space<vmem_shared>>) dst(%dma_wait3A_45 : memref<128x128xf32, #tpu.memory_space<vmem>>)
    %add3A_51 = arith.constant 0 : i32
    %add3A_52 = arith.addi %mul3A_2, %add3A_51 : i32
    %dma_start3A_53 = arith.constant 0 : i32
    %dma_start3A_54 = arith.constant 0 : i32
    %dma_start3A_55 = tpu.memref_slice %arg6[%dma_start3A_53, %dma_start3A_54] : memref<512x128xf32, #tpu.memory_space<vmem>> -> memref<128x128xf32, #tpu.memory_space<vmem>>
    %dma_start3A_56 = arith.constant 0 : i32
    %dma_start3A_57 = tpu.memref_slice %arg4[%add3A_52, %dma_start3A_56] : memref<16384x128xf32, #tpu.memory_space<hbm>> -> memref<128x128xf32, #tpu.memory_space<hbm>>
    %dma_start3A_58 = arith.constant 0 : i32
    %dma_start3A_59 = tpu.memref_slice %arg4[%add3A_52, %dma_start3A_58] : memref<16384x128xf32, #tpu.memory_space<hbm>> -> memref<128x128xf32, #tpu.memory_space<hbm>>
    %dma_start3A_60 = arith.constant 0 : i32
    %dma_start3A_61 = arith.constant 0 : i32
    %dma_start3A_62 = tpu.memref_slice %arg6[%dma_start3A_60, %dma_start3A_61] : memref<512x128xf32, #tpu.memory_space<vmem>> -> memref<128x128xf32, #tpu.memory_space<vmem>>
    tpu.enqueue_dma source(%dma_start3A_62 : memref<128x128xf32, #tpu.memory_space<vmem>>) target(%dma_start3A_59 : memref<128x128xf32, #tpu.memory_space<hbm>>) target_semaphore(%arg10 : memref<!tpu.dma_semaphore, #tpu.memory_space<semaphore_mem>>)
    %dma_wait3A_63 = arith.constant 128 : i32
    %dma_wait3A_64 = arith.constant 0 : i32
    %dma_wait3A_65 = tpu.memref_slice %arg6[%dma_wait3A_63, %dma_wait3A_64] : memref<512x128xf32, #tpu.memory_space<vmem>> -> memref<128x128xf32, #tpu.memory_space<vmem>>
    %dma_wait3A_66 = arith.constant 128 : i32
    %dma_wait3A_67 = tpu.memref_slice %arg5[%dma_wait3A_66] : memref<512xi32, #tpu.memory_space<vmem>> -> memref<128xi32, #tpu.memory_space<vmem>>
    %dma_wait3A_68 = arith.constant 0 : i32
    %dma_wait3A_69 = arith.constant 0 : i32
    %dma_wait3A_70 = tpu.memref_slice %arg7[%dma_wait3A_68, %dma_wait3A_69] : memref<1000x128xf32, #tpu.memory_space<vmem_shared>> -> memref<1000x128xf32, #tpu.memory_space<vmem_shared>>
    tpu.wait_indirect_dma semaphore(%arg8 : memref<!tpu.dma_semaphore, #tpu.memory_space<semaphore_mem>>) src(%dma_wait3A_70 : memref<1000x128xf32, #tpu.memory_space<vmem_shared>>) dst(%dma_wait3A_65 : memref<128x128xf32, #tpu.memory_space<vmem>>)
    %add3A_71 = arith.constant 128 : i32
    %add3A_72 = arith.addi %mul3A_2, %add3A_71 : i32
    %dma_start3A_73 = arith.constant 128 : i32
    %dma_start3A_74 = arith.constant 0 : i32
    %dma_start3A_75 = tpu.memref_slice %arg6[%dma_start3A_73, %dma_start3A_74] : memref<512x128xf32, #tpu.memory_space<vmem>> -> memref<128x128xf32, #tpu.memory_space<vmem>>
    %dma_start3A_76 = arith.constant 0 : i32
    %dma_start3A_77 = tpu.memref_slice %arg4[%add3A_72, %dma_start3A_76] : memref<16384x128xf32, #tpu.memory_space<hbm>> -> memref<128x128xf32, #tpu.memory_space<hbm>>
    %dma_start3A_78 = arith.constant 0 : i32
    %dma_start3A_79 = tpu.memref_slice %arg4[%add3A_72, %dma_start3A_78] : memref<16384x128xf32, #tpu.memory_space<hbm>> -> memref<128x128xf32, #tpu.memory_space<hbm>>
    %dma_start3A_80 = arith.constant 128 : i32
    %dma_start3A_81 = arith.constant 0 : i32
    %dma_start3A_82 = tpu.memref_slice %arg6[%dma_start3A_80, %dma_start3A_81] : memref<512x128xf32, #tpu.memory_space<vmem>> -> memref<128x128xf32, #tpu.memory_space<vmem>>
    tpu.enqueue_dma source(%dma_start3A_82 : memref<128x128xf32, #tpu.memory_space<vmem>>) target(%dma_start3A_79 : memref<128x128xf32, #tpu.memory_space<hbm>>) target_semaphore(%arg10 : memref<!tpu.dma_semaphore, #tpu.memory_space<semaphore_mem>>)
    %dma_wait3A_83 = arith.constant 256 : i32
    %dma_wait3A_84 = arith.constant 0 : i32
    %dma_wait3A_85 = tpu.memref_slice %arg6[%dma_wait3A_83, %dma_wait3A_84] : memref<512x128xf32, #tpu.memory_space<vmem>> -> memref<128x128xf32, #tpu.memory_space<vmem>>
    %dma_wait3A_86 = arith.constant 256 : i32
    %dma_wait3A_87 = tpu.memref_slice %arg5[%dma_wait3A_86] : memref<512xi32, #tpu.memory_space<vmem>> -> memref<128xi32, #tpu.memory_space<vmem>>
    %dma_wait3A_88 = arith.constant 0 : i32
    %dma_wait3A_89 = arith.constant 0 : i32
    %dma_wait3A_90 = tpu.memref_slice %arg7[%dma_wait3A_88, %dma_wait3A_89] : memref<1000x128xf32, #tpu.memory_space<vmem_shared>> -> memref<1000x128xf32, #tpu.memory_space<vmem_shared>>
    tpu.wait_indirect_dma semaphore(%arg8 : memref<!tpu.dma_semaphore, #tpu.memory_space<semaphore_mem>>) src(%dma_wait3A_90 : memref<1000x128xf32, #tpu.memory_space<vmem_shared>>) dst(%dma_wait3A_85 : memref<128x128xf32, #tpu.memory_space<vmem>>)
    %add3A_91 = arith.constant 256 : i32
    %add3A_92 = arith.addi %mul3A_2, %add3A_91 : i32
    %dma_start3A_93 = arith.constant 256 : i32
    %dma_start3A_94 = arith.constant 0 : i32
    %dma_start3A_95 = tpu.memref_slice %arg6[%dma_start3A_93, %dma_start3A_94] : memref<512x128xf32, #tpu.memory_space<vmem>> -> memref<128x128xf32, #tpu.memory_space<vmem>>
    %dma_start3A_96 = arith.constant 0 : i32
    %dma_start3A_97 = tpu.memref_slice %arg4[%add3A_92, %dma_start3A_96] : memref<16384x128xf32, #tpu.memory_space<hbm>> -> memref<128x128xf32, #tpu.memory_space<hbm>>
    %dma_start3A_98 = arith.constant 0 : i32
    %dma_start3A_99 = tpu.memref_slice %arg4[%add3A_92, %dma_start3A_98] : memref<16384x128xf32, #tpu.memory_space<hbm>> -> memref<128x128xf32, #tpu.memory_space<hbm>>
    %dma_start3A_100 = arith.constant 256 : i32
    %dma_start3A_101 = arith.constant 0 : i32
    %dma_start3A_102 = tpu.memref_slice %arg6[%dma_start3A_100, %dma_start3A_101] : memref<512x128xf32, #tpu.memory_space<vmem>> -> memref<128x128xf32, #tpu.memory_space<vmem>>
    tpu.enqueue_dma source(%dma_start3A_102 : memref<128x128xf32, #tpu.memory_space<vmem>>) target(%dma_start3A_99 : memref<128x128xf32, #tpu.memory_space<hbm>>) target_semaphore(%arg10 : memref<!tpu.dma_semaphore, #tpu.memory_space<semaphore_mem>>)
    %dma_wait3A_103 = arith.constant 384 : i32
    %dma_wait3A_104 = arith.constant 0 : i32
    %dma_wait3A_105 = tpu.memref_slice %arg6[%dma_wait3A_103, %dma_wait3A_104] : memref<512x128xf32, #tpu.memory_space<vmem>> -> memref<128x128xf32, #tpu.memory_space<vmem>>
    %dma_wait3A_106 = arith.constant 384 : i32
    %dma_wait3A_107 = tpu.memref_slice %arg5[%dma_wait3A_106] : memref<512xi32, #tpu.memory_space<vmem>> -> memref<128xi32, #tpu.memory_space<vmem>>
    %dma_wait3A_108 = arith.constant 0 : i32
    %dma_wait3A_109 = arith.constant 0 : i32
    %dma_wait3A_110 = tpu.memref_slice %arg7[%dma_wait3A_108, %dma_wait3A_109] : memref<1000x128xf32, #tpu.memory_space<vmem_shared>> -> memref<1000x128xf32, #tpu.memory_space<vmem_shared>>
    tpu.wait_indirect_dma semaphore(%arg8 : memref<!tpu.dma_semaphore, #tpu.memory_space<semaphore_mem>>) src(%dma_wait3A_110 : memref<1000x128xf32, #tpu.memory_space<vmem_shared>>) dst(%dma_wait3A_105 : memref<128x128xf32, #tpu.memory_space<vmem>>)
    %add3A_111 = arith.constant 384 : i32
    %add3A_112 = arith.addi %mul3A_2, %add3A_111 : i32
    %dma_start3A_113 = arith.constant 384 : i32
    %dma_start3A_114 = arith.constant 0 : i32
    %dma_start3A_115 = tpu.memref_slice %arg6[%dma_start3A_113, %dma_start3A_114] : memref<512x128xf32, #tpu.memory_space<vmem>> -> memref<128x128xf32, #tpu.memory_space<vmem>>
    %dma_start3A_116 = arith.constant 0 : i32
    %dma_start3A_117 = tpu.memref_slice %arg4[%add3A_112, %dma_start3A_116] : memref<16384x128xf32, #tpu.memory_space<hbm>> -> memref<128x128xf32, #tpu.memory_space<hbm>>
    %dma_start3A_118 = arith.constant 0 : i32
    %dma_start3A_119 = tpu.memref_slice %arg4[%add3A_112, %dma_start3A_118] : memref<16384x128xf32, #tpu.memory_space<hbm>> -> memref<128x128xf32, #tpu.memory_space<hbm>>
    %dma_start3A_120 = arith.constant 384 : i32
    %dma_start3A_121 = arith.constant 0 : i32
    %dma_start3A_122 = tpu.memref_slice %arg6[%dma_start3A_120, %dma_start3A_121] : memref<512x128xf32, #tpu.memory_space<vmem>> -> memref<128x128xf32, #tpu.memory_space<vmem>>
    tpu.enqueue_dma source(%dma_start3A_122 : memref<128x128xf32, #tpu.memory_space<vmem>>) target(%dma_start3A_119 : memref<128x128xf32, #tpu.memory_space<hbm>>) target_semaphore(%arg10 : memref<!tpu.dma_semaphore, #tpu.memory_space<semaphore_mem>>)
    %dma_wait3A_123 = arith.constant 0 : i32
    %dma_wait3A_124 = arith.constant 0 : i32
    %dma_wait3A_125 = tpu.memref_slice %arg6[%dma_wait3A_123, %dma_wait3A_124] : memref<512x128xf32, #tpu.memory_space<vmem>> -> memref<128x128xf32, #tpu.memory_space<vmem>>
    %dma_wait3A_126 = arith.constant 0 : i32
    %dma_wait3A_127 = tpu.memref_slice %arg4[%add3A_52, %dma_wait3A_126] : memref<16384x128xf32, #tpu.memory_space<hbm>> -> memref<128x128xf32, #tpu.memory_space<hbm>>
    %dma_wait3A_128 = arith.constant 0 : i32
    %dma_wait3A_129 = tpu.memref_slice %arg4[%add3A_52, %dma_wait3A_128] : memref<16384x128xf32, #tpu.memory_space<hbm>> -> memref<128x128xf32, #tpu.memory_space<hbm>>
    %dma_wait3A_130 = arith.constant 0 : i32
    %dma_wait3A_131 = arith.constant 0 : i32
    %dma_wait3A_132 = tpu.memref_slice %arg6[%dma_wait3A_130, %dma_wait3A_131] : memref<512x128xf32, #tpu.memory_space<vmem>> -> memref<128x128xf32, #tpu.memory_space<vmem>>
    tpu.wait_dma2 semaphore(%arg10 : memref<!tpu.dma_semaphore, #tpu.memory_space<semaphore_mem>>) src(%dma_wait3A_132 : memref<128x128xf32, #tpu.memory_space<vmem>>) dst(%dma_wait3A_129 : memref<128x128xf32, #tpu.memory_space<hbm>>)
    %dma_wait3A_133 = arith.constant 128 : i32
    %dma_wait3A_134 = arith.constant 0 : i32
    %dma_wait3A_135 = tpu.memref_slice %arg6[%dma_wait3A_133, %dma_wait3A_134] : memref<512x128xf32, #tpu.memory_space<vmem>> -> memref<128x128xf32, #tpu.memory_space<vmem>>
    %dma_wait3A_136 = arith.constant 0 : i32
    %dma_wait3A_137 = tpu.memref_slice %arg4[%add3A_72, %dma_wait3A_136] : memref<16384x128xf32, #tpu.memory_space<hbm>> -> memref<128x128xf32, #tpu.memory_space<hbm>>
    %dma_wait3A_138 = arith.constant 0 : i32
    %dma_wait3A_139 = tpu.memref_slice %arg4[%add3A_72, %dma_wait3A_138] : memref<16384x128xf32, #tpu.memory_space<hbm>> -> memref<128x128xf32, #tpu.memory_space<hbm>>
    %dma_wait3A_140 = arith.constant 128 : i32
    %dma_wait3A_141 = arith.constant 0 : i32
    %dma_wait3A_142 = tpu.memref_slice %arg6[%dma_wait3A_140, %dma_wait3A_141] : memref<512x128xf32, #tpu.memory_space<vmem>> -> memref<128x128xf32, #tpu.memory_space<vmem>>
    tpu.wait_dma2 semaphore(%arg10 : memref<!tpu.dma_semaphore, #tpu.memory_space<semaphore_mem>>) src(%dma_wait3A_142 : memref<128x128xf32, #tpu.memory_space<vmem>>) dst(%dma_wait3A_139 : memref<128x128xf32, #tpu.memory_space<hbm>>)
    %dma_wait3A_143 = arith.constant 256 : i32
    %dma_wait3A_144 = arith.constant 0 : i32
    %dma_wait3A_145 = tpu.memref_slice %arg6[%dma_wait3A_143, %dma_wait3A_144] : memref<512x128xf32, #tpu.memory_space<vmem>> -> memref<128x128xf32, #tpu.memory_space<vmem>>
    %dma_wait3A_146 = arith.constant 0 : i32
    %dma_wait3A_147 = tpu.memref_slice %arg4[%add3A_92, %dma_wait3A_146] : memref<16384x128xf32, #tpu.memory_space<hbm>> -> memref<128x128xf32, #tpu.memory_space<hbm>>
    %dma_wait3A_148 = arith.constant 0 : i32
    %dma_wait3A_149 = tpu.memref_slice %arg4[%add3A_92, %dma_wait3A_148] : memref<16384x128xf32, #tpu.memory_space<hbm>> -> memref<128x128xf32, #tpu.memory_space<hbm>>
    %dma_wait3A_150 = arith.constant 256 : i32
    %dma_wait3A_151 = arith.constant 0 : i32
    %dma_wait3A_152 = tpu.memref_slice %arg6[%dma_wait3A_150, %dma_wait3A_151] : memref<512x128xf32, #tpu.memory_space<vmem>> -> memref<128x128xf32, #tpu.memory_space<vmem>>
    tpu.wait_dma2 semaphore(%arg10 : memref<!tpu.dma_semaphore, #tpu.memory_space<semaphore_mem>>) src(%dma_wait3A_152 : memref<128x128xf32, #tpu.memory_space<vmem>>) dst(%dma_wait3A_149 : memref<128x128xf32, #tpu.memory_space<hbm>>)
    %dma_wait3A_153 = arith.constant 384 : i32
    %dma_wait3A_154 = arith.constant 0 : i32
    %dma_wait3A_155 = tpu.memref_slice %arg6[%dma_wait3A_153, %dma_wait3A_154] : memref<512x128xf32, #tpu.memory_space<vmem>> -> memref<128x128xf32, #tpu.memory_space<vmem>>
    %dma_wait3A_156 = arith.constant 0 : i32
    %dma_wait3A_157 = tpu.memref_slice %arg4[%add3A_112, %dma_wait3A_156] : memref<16384x128xf32, #tpu.memory_space<hbm>> -> memref<128x128xf32, #tpu.memory_space<hbm>>
    %dma_wait3A_158 = arith.constant 0 : i32
    %dma_wait3A_159 = tpu.memref_slice %arg4[%add3A_112, %dma_wait3A_158] : memref<16384x128xf32, #tpu.memory_space<hbm>> -> memref<128x128xf32, #tpu.memory_space<hbm>>
    %dma_wait3A_160 = arith.constant 384 : i32
    %dma_wait3A_161 = arith.constant 0 : i32
    %dma_wait3A_162 = tpu.memref_slice %arg6[%dma_wait3A_160, %dma_wait3A_161] : memref<512x128xf32, #tpu.memory_space<vmem>> -> memref<128x128xf32, #tpu.memory_space<vmem>>
    tpu.wait_dma2 semaphore(%arg10 : memref<!tpu.dma_semaphore, #tpu.memory_space<semaphore_mem>>) src(%dma_wait3A_162 : memref<128x128xf32, #tpu.memory_space<vmem>>) dst(%dma_wait3A_159 : memref<128x128xf32, #tpu.memory_space<hbm>>)
    return
  }
}

</mosaic_0001>

<sc_bundles>
// kernel: kernel.3.cloned.1.call-start
scs
__scs_entry_jumppad:
0x0: {  	(pc) =	sbr.rel $0x88, $3  }
0x1: {  	(tag) =	ssettag $0x0;
	lr =	simm.s32 $0x1  }
0x2: {  	[smem:$0x3F9F] =	sst lr;
	_ =	strace $0xD0000000  }
0x3: {  	_ = 	snop  }
0x4: {  	_ = 	snop  }
0x5: {  	_ = 	snop  }
0x6: {  	_ = 	snop  }
0x7: {  	_ = 	snop  }
__scs_overlays_trampoline_lowered:
0x8: {  	[smem:$0x3FAE] =	sst s0  }
0x9: {  	[smem:$0x3FAF] =	sst s1  }
0xa: {  	[smem:$0x3FB0] =	sst s2  }
0xb: {  	[smem:$0x3FB1] =	sst s3  }
0xc: {  	[smem:$0x3FB2] =	sst s4  }
0xd: {  	[smem:$0x3FB3] =	sst s5  }
0xe: {  	[smem:$0x3FB4] =	sst s6  }
0xf: {  	[smem:$0x3FB5] =	sst s7  }
0x10: {  	[smem:$0x3FB6] =	sst s8  }
0x11: {  	[smem:$0x3FB7] =	sst s9;
	s0 =	simm.s32 @!p0 $0x0  }
0x12: {  	s1 =	sld [smem:$0x3F9D];
	s0 =	simm.s32 @p0 $0x1  }
0x13: {  	[smem:$0x3FB8] =	sst s0;
	s0 =	simm.s32 @!p1 $0x0  }
0x14: {  	s2 =	sld [smem:$0x3F9C];
	s0 =	simm.s32 @p1 $0x1  }
0x15: {  	[smem:$0x3FB9] =	sst s0;
	s0 =	simm.s32 @!p2 $0x0  }
0x16: {  	s3 =	sld [smem:$0x3FDB];
	s0 =	simm.s32 @p2 $0x1  }
0x17: {  	s4 =	simm.s32 $0x1BF5;
	[smem:$0x3FBB] =	sst s0  }
0x18: {  	s0 =	sld [smem:$0x3F9E];
	_ =	swait.ge [sflag:s4], $0x0  }
0x19: {  	s7 =	sld [smem:$0x3F9F]  }
0x1a: {  	s8 =	sadd.s32 $0xFFFFE003, lr  }
0x1b: {  	s9 =	sadd.s32 $0xFFFFFEF7, lr;
	s5 =	simm.s32 $0xFFFFFFFF;
	p2 =	slt.u32 s8, $0xFFFFF086  }
0x1c: {  	p1 =	slt.u32 s9, $0xF7A;
	s5 =	simm.s32 @!p2 $0x0  }
0x1d: {  	s5 =	simm.s32 @p1 $0x1;
	p0 =	seq.s32 s7, s2  }
0x1e: {  	s7 =	smul.u32 @!p0 $0xF7A, s2;
	p2 =	seq.s32 @!p0 s5, $0x0  }
0x1f: {  	s9 =	smul.u32 $0xF7A, s1;
	s8 =	simm.s32 @!p0 $0x1BF5;
	p2 =	por !p2, p0  }
0x20: {  	[sflag:s8] =	ssyncset.s32 @!p0 $0xFFFFF086;
	s6 =	sadd.s32 @!p0 s3, s7;
	s7 =	simm.s32 @!p0 $0x108  }
0x21: {  	s3 =	sadd.s32 s3, s9;
	s6 =	sadd.s32 @!p0 $0x88, s6;
	s7 =	simm.s32 @p2 $0x1082  }
0x22: {  	[simem:s7], [sflag:s8] =	dma.local @!p0 [hbm:s6], $0xF7A  }
0x23: {  	s9 =	sor.u32 $0xD0000000, s2;
	s6 =	simm.s32 $0x108;
	_ =	swait.ge @!p0 [sflag:s8], $0x0  }
0x24: {  	s3 =	sadd.s32 $0x88, s3;
	s6 =	simm.s32 @!p1 $0x1082;
	[sflag:s4] =	ssyncset.s32 $0xFFFFF086  }
0x25: {  	[simem:s6], [sflag:s4] =	dma.local [hbm:s3], $0xF7A  }
0x26: {  	[smem:$0x3F9F] =	sst s1;
	(tag) =	ssettag s2;
	_ =	strace s9  }
0x27: {  	s1 =	sld [smem:$0x3FAF]  }
0x28: {  	s2 =	sld [smem:$0x3FB0]  }
0x29: {  	s4 =	sld [smem:$0x3FB2]  }
0x2a: {  	p0 =	seq.s32 s5, $0x0;
	s5 =	sld [smem:$0x3FB3]  }
0x2b: {  	s6 =	sld [smem:$0x3FB4]  }
0x2c: {  	s7 =	sld [smem:$0x3FB5]  }
0x2d: {  	s3 =	simm.s32 $0x108;
	s8 =	sld [smem:$0x3FB6]  }
0x2e: {  	s3 =	simm.s32 @!p0 $0x1082;
	s9 =	sld [smem:$0x3FB7]  }
0x2f: {  	lr =	sadd.s32 s0, s3;
	s0 =	sld [smem:$0x3FAE]  }
0x30: {  	s3 =	sld [smem:$0x3FB1]  }
0x31: {  	[smem:$0x3FBA] =	sst s10  }
0x32: {  	s10 =	sld [smem:$0x3FB8];
	_ =	sdelay $0x3  }
0x33: {  	p0 =	seq.s32 s10, $0x1;
	s10 =	sld [smem:$0x3FBA];
	_ =	sdelay $0x3  }
0x34: {  	[smem:$0x3FBA] =	sst s10  }
0x35: {  	s10 =	sld [smem:$0x3FB9];
	_ =	sdelay $0x3  }
0x36: {  	p1 =	seq.s32 s10, $0x1;
	s10 =	sld [smem:$0x3FBA];
	_ =	sdelay $0x3  }
0x37: {  	[smem:$0x3FBA] =	sst s10  }
0x38: {  	s10 =	sld [smem:$0x3FBB]  }
0x39: {  	_ = 	snop;
	(pc) =	sbr.ind lr, $3  }
0x3a: {  	_ = 	snop  }
0x3b: {  	_ = 	snop  }
0x3c: {  	p2 =	seq.s32 s10, $0x1;
	s10 =	sld [smem:$0x3FBA]  }
0x3d: {  	_ =	shalt  }
0x3e: {  	_ =	shalt  }
0x3f: {  	_ =	shalt  }
0x40: {  	_ =	shalt  }
0x41: {  	_ =	shalt  }
0x42: {  	_ =	shalt  }
0x43: {  	_ =	shalt  }
0x44: {  	_ =	shalt  }
0x45: {  	_ =	shalt  }
0x46: {  	_ =	shalt  }
0x47: {  	_ =	shalt  }
0x48: {  	_ =	shalt  }
0x49: {  	_ =	shalt  }
0x4a: {  	_ =	shalt  }
0x4b: {  	_ =	shalt  }
0x4c: {  	_ =	shalt  }
0x4d: {  	_ =	shalt  }
0x4e: {  	_ =	shalt  }
0x4f: {  	_ =	shalt  }
0x50: {  	_ =	shalt  }
0x51: {  	_ =	shalt  }
0x52: {  	_ =	shalt  }
0x53: {  	_ =	shalt  }
0x54: {  	_ =	shalt  }
0x55: {  	_ =	shalt  }
0x56: {  	_ =	shalt  }
0x57: {  	_ =	shalt  }
0x58: {  	_ =	shalt  }
0x59: {  	_ =	shalt  }
0x5a: {  	_ =	shalt  }
0x5b: {  	_ =	shalt  }
0x5c: {  	_ =	shalt  }
0x5d: {  	_ =	shalt  }
0x5e: {  	_ =	shalt  }
0x5f: {  	_ =	shalt  }
0x60: {  	_ =	shalt  }
0x61: {  	_ =	shalt  }
0x62: {  	_ =	shalt  }
0x63: {  	_ =	shalt  }
0x64: {  	_ =	shalt  }
0x65: {  	_ =	shalt  }
0x66: {  	_ =	shalt  }
0x67: {  	_ =	shalt  }
0x68: {  	_ =	shalt  }
0x69: {  	_ =	shalt  }
0x6a: {  	_ =	shalt  }
0x6b: {  	_ =	shalt  }
0x6c: {  	_ =	shalt  }
0x6d: {  	_ =	shalt  }
0x6e: {  	_ =	shalt  }
0x6f: {  	_ =	shalt  }
0x70: {  	_ =	shalt  }
0x71: {  	_ =	shalt  }
0x72: {  	_ =	shalt  }
0x73: {  	_ =	shalt  }
0x74: {  	_ =	shalt  }
0x75: {  	_ =	shalt  }
0x76: {  	_ =	shalt  }
0x77: {  	_ =	shalt  }
0x78: {  	_ =	shalt  }
0x79: {  	_ =	shalt  }
0x7a: {  	_ =	shalt  }
0x7b: {  	_ =	shalt  }
0x7c: {  	_ =	shalt  }
0x7d: {  	_ =	shalt  }
0x7e: {  	_ =	shalt  }
0x7f: {  	_ =	shalt  }
0x80: {  	_ =	shalt  }
0x81: {  	_ =	shalt  }
0x82: {  	_ =	shalt  }
0x83: {  	_ =	shalt  }
0x84: {  	_ =	shalt  }
0x85: {  	_ =	shalt  }
0x86: {  	_ =	shalt  }
0x87: {  	_ =	shalt  }
.Lfunc_end0:
.L_simem_size_0:
called_computation_lowered:
.L_overlay_start_0:
0x88: {  	s2 =	sld [smem:$0x3FD9]  }
0x89: {  	s3 =	sld [smem:$0x3FFE];
	_ =	sdelay $0x1  }
0x8a: {  	s1 =	srdreg.scid  }
0x8b: {  	s0 =	sand.u32 $0x1, s1  }
0x8c: {  	s18 =	sshll.u32 s0, $0xA;
	s2 =	sadd.s32 s3, s2  }
0x8d: {  	s2 =	sadd.s32 s2, s18  }
0x8e: {  	[smem:$0x3FC6] =	sst s2  }
0x8f: {  	_ = 	snop  }
0x90: {  	s2 =	sld [smem:$0x3FC9]  }
0x91: {  	s19 =	sld [smem:$0x3FC8]  }
0x92: {  	s4 =	sld [smem:$0x3FD0];
	(tm) =	ssettm $0x1  }
0x93: {  	s5 =	sld [smem:$0x3FFB];
	_ =	sdelay $0x3  }
0x94: {  	_ =	strace s5  }
0x95: {  	s5 =	sld [smem:$0x3FFC];
	_ =	sdelay $0x3  }
0x96: {  	_ =	strace s5  }
0x97: {  	s5 =	sld [smem:$0x3FFD];
	_ =	sdelay $0x3  }
0x98: {  	_ =	strace s5  }
0x99: {  	_ =	strace $0x8FFFFFFF  }
0x9a: {  	s20 =	sld [smem:$0x3FDB];
	_ =	sdelay $0x1  }
0x9b: {  	s6 =	simm.s32 $_scs_section_size  }
0x9c: {  	s7 =	simm.s32 $_size__tile_overlayer_lowered;
	s8 =	simm.s32 $_tile_overlayer_lowered  }
0x9d: {  	s23 =	simm.s32 $0x1BFF;
	s22 =	sshll.u32 s8, $0x1;
	s5 =	sadd.s32 s6, s20  }
0x9e: {  	s9 =	simm.s32 $0x0;
	s21 =	sshll.u32 s7, $0x1;
	s7 =	sadd.s32 s22, s5  }
0x9f: {  	[timem:s9], [sflag:s23] =	dma.local [hbm:s7], s21  }
0xa0: {  	_ =	swait.ge [sflag:s23], s21  }
0xa1: {  	s6 =	ssub.s32 $0x0, s21;
	[sflag:s23] =	ssyncset.done $0x0  }
0xa2: {  	[sflag:s23] =	ssyncadd.s32 s6;
	_ =	sdelay $0x1  }
0xa3: {  	s24 =	simm.s32 $0x1B8B  }
0xa4: {  	_ =	swait.ge [sflag:s24], $0x1  }
0xa5: {  	[sflag:s24] =	ssyncset.done $0x0  }
0xa6: {  	s25 =	simm.s32 $0x1B8E;
	[sflag:s24] =	ssyncadd.s32 $0xFFFFFFFF  }
0xa7: {  	s26 =	simm.s32 $execute0_lowered;
	[smem:$0x3FD2] =	sst s25  }
0xa8: {  	s6 =	sshll.u32 s26, $0x1;
	_ =	strace $0x80000046;
	[dreg:$0x1] =	wrdreg $0xFFFFFFFF  }
0xa9: {  	s28 =	simm.s32 $_size_execute0_lowered;
	s5 =	sadd.s32 s5, s6;
	[dreg:$0x0] =	wrdreg $0x0  }
0xaa: {  	s6 =	sshll.u32 s28, $0x1;
	[dreg:$0x2] =	wrdreg s5  }
0xab: {  	[dreg:$0x3] =	wrdreg s6  }
0xac: {  	[dreg:$0x4] =	wrdreg $0xC0  }
0xad: {  	_ =	task [dreg:s9], $0x5FFFF  }
0xae: {  	[dreg:$0x1] =	wrdreg $0xFFFFFFFF  }
0xaf: {  	[dreg:$0x0] =	wrdreg $0x60  }
0xb0: {  	[dreg:$0x2] =	wrdreg s2  }
0xb1: {  	[dreg:$0x3] =	wrdreg s19  }
0xb2: {  	[dreg:$0x4] =	wrdreg s4  }
0xb3: {  	[dreg:$0x5] =	wrdreg $0x102000  }
0xb4: {  	[dreg:$0x6] =	wrdreg $0x9  }
0xb5: {  	_ =	task.clear_ibuf [dreg:s9], $0x7FFFF;
	_ =	strace $0x90000046  }
0xb6: {  	s29 =	simm.s32 $0x9;
	_ =	strace $0x80000048  }
0xb7: {  	_ =	swait.ge [sflag:s29], $0x1  }
0xb8: {  	[sflag:s29] =	ssyncadd.s32 $0xFFFFFFFF  }
0xb9: {  	_ =	strace $0x90000048  }
0xba: {  	_ =	sfence  }
0xbb: {  	s30 =	sld [smem:$0x0];
	_ =	sdelay $0x2  }
0xbc: {  	s31 =	sshll.u32 s1, $0xD;
	s1 =	sshrl.u32 s1, $0x2  }
0xbd: {  	s3 =	sand.u32 $0x4000, s31;
	s1 =	sadd.s32 s1, s30  }
0xbe: {  	s0 =	sor.u32 s3, s0;
	s1 =	sshll.u32 s1, $0x11  }
0xbf: {  	s0 =	sor.u32 s1, s0  }
0xc0: {  	s0 =	sadd.s32 $0x8F2B, s0  }
0xc1: {  	[sflag:s0] =	ssyncadd.remote.s32 $0x1  }
0xc2: {  	_ =	sfence.sel $0xFFFF  }
0xc3: {  	[dreg:$0x0] =	wrdreg $0xFFFFFFFF;
	(pc) =	sbr.abs _section_cstart, $3  }
0xc4: {  	[dreg:$0x1] =	wrdreg $0xFFFFFFFF  }
0xc5: {  	_ =	task.clear_ibuf [dreg:s9], $0x2FFFF;
	_ =	strace $0x9FFFFFFF  }
0xc6: {  	(tm) =	ssettm $0x7FFFFFFF  }
0xc7: {  	_ =	shalt  }
tec
execute0_lowered:
.L_overlay_start_1:
0x0: {  	(tag) =	ssettag $0x1  }
0x1: {  	s4 =	rddreg [dreg:$0x0]  }
0x2: {  	s9 =	rddreg [dreg:$0x1]  }
0x3: {  	s1 =	srdreg.scid;
	s22 =	rddreg [dreg:$0x2]  }
0x4: {  	s0 =	stileid.u32;
	s2 =	rddreg [dreg:$0x3]  }
0x5: {  	s3 =	simm.s32 $0x0;
	s28 =	sand.u32 $0x1, s1;
	s1 =	rddreg [dreg:$0x4]  }
0x6: {  	s10 =	sshll.u32 s0, $0xA;
	[smem:$0x7FF] =	sst s3  }
0x7: {  	s11 =	sshll.u32 s0, $0xD;
	s6 =	sadd.s32 $0x1E000, s2;
	s5 =	sshll.u32 s28, $0x9  }
0x8: {  	p0 =	seq.s32 s0, $0xF;
	_ =	strace $0x80000047;
	s23 =	sor.u32 s5, s10  }
0x9: {  	s6 =	sshrl.u32 @p0 s6, $0x3;
	s7 =	simm.s32 @p0 $0x1FC4;
	s5 =	sshrl.u32 s23, $0x3  }
0xa: {  	s8 =	simm.s32 @p0 $0x4;
	s4 =	sadd.s32 s4, s5;
	s5 =	sadd.s32 $0x3C00, s9  }
0xb: {  	[tilespmem:s3], [sflag:$0x2] =	stream.linear.gather [hbm4b:s4+s3], $0x200, $0x38;
	[tilespmem:$0x12140] =	vst v63  }
0xc: {  	[spmem:s6], [sflag:s7] =	dma.local @p0 [hbm:s5], $0x280  }
0xd: {  	s11 =	sadd.s32 s11, s2;
	s12 =	sshll.u32 @!p0 s0, $0x6;
	_ =	swait.ge @p0 [sflag:s8], $0x280  }
0xe: {  	s11 =	sshrl.u32 @!p0 s11, $0x3;
	s9 =	sadd.s32 s9, s10;
	[sflag:s8] =	ssyncset.done @p0 $0x0  }
0xf: {  	s10 =	sor.u32 @!p0 $0x1C04, s12;
	s12 =	simm.s32 @!p0 $0x4;
	[sflag:s8] =	ssyncadd.s32 @p0 $0xFFFFFD80  }
0x10: {  	[spmem:s11], [sflag:s10] =	dma.local @!p0 [hbm:s9], $0x400  }
0x11: {  	_ =	swait.ge @!p0 [sflag:s12], $0x400  }
0x12: {  	[sflag:s12] =	ssyncset.done @!p0 $0x0  }
0x13: {  	s13 =	simm.s32 $0x2;
	[sflag:s12] =	ssyncadd.s32 @!p0 $0xFFFFFC00  }
0x14: {  	_ =	swait.ge [sflag:s13], $0x200  }
0x15: {  	[sflag:s13] =	ssyncset.done $0x0  }
0x16: {  	[sflag:s13] =	ssyncadd.s32 $0xFFFFFE00  }
0x17: {  	s14 =	simm.s32 $0x80;
	s15 =	simm.s32 $0x200;
	[bflag:$0x0] =	sbarrier.arrive $0xFFFF  }
0x18: {  	[tilespmem:s15], [sflag:$0x1] =	stream.indirect.gather [spmem:s2], $0x80, s3, s14, $0xb8;
	[tilespmem:$0x12140] =	vst v63  }
0x19: {  	s16 =	simm.s32 $0x4200  }
0x1a: {  	[tilespmem:s16], [sflag:$0x1] =	stream.indirect.gather [spmem:s2], $0x80, s14, s14, $0xb8;
	[tilespmem:$0x12140] =	vst v63  }
0x1b: {  	s17 =	simm.s32 $0x100;
	s18 =	simm.s32 $0x8200  }
0x1c: {  	[tilespmem:s18], [sflag:$0x1] =	stream.indirect.gather [spmem:s2], $0x80, s17, s14, $0xb8;
	[tilespmem:$0x12140] =	vst v63  }
0x1d: {  	s19 =	simm.s32 $0x180;
	s20 =	simm.s32 $0xC200;
	s21 =	simm.s32 $0x1  }
0x1e: {  	[tilespmem:s20], [sflag:$0x1] =	stream.indirect.gather [spmem:s2], $0x80, s19, s14, $0xb8;
	[tilespmem:$0x12140] =	vst v63  }
0x1f: {  	_ =	swait.ge [sflag:s21], $0x4000  }
0x20: {  	s23 =	sshll.u32 s23, $0x4;
	[sflag:s21] =	ssyncset.done $0x0  }
0x21: {  	s22 =	sadd.s32 s22, s23;
	[sflag:s21] =	ssyncadd.s32 $0xFFFFC000  }
0x22: {  	[hbm4b:s22+s3] =	stream.linear.scatter [tilespmem:s15], [sflag:$0x3], $0x4000, $0x38;
	[tilespmem:$0x12140] =	vst v63  }
0x23: {  	_ =	swait.ge [sflag:s21], $0x4000  }
0x24: {  	[sflag:s21] =	ssyncset.done $0x0  }
0x25: {  	s23 =	sadd.s32 $0x800, s22;
	[sflag:s21] =	ssyncadd.s32 $0xFFFFC000  }
0x26: {  	[hbm4b:s23+s3] =	stream.linear.scatter [tilespmem:s16], [sflag:$0x3], $0x4000, $0x38;
	[tilespmem:$0x12140] =	vst v63  }
0x27: {  	_ =	swait.ge [sflag:s21], $0x4000  }
0x28: {  	[sflag:s21] =	ssyncset.done $0x0  }
0x29: {  	s24 =	sadd.s32 $0x1000, s22;
	[sflag:s21] =	ssyncadd.s32 $0xFFFFC000  }
0x2a: {  	[hbm4b:s24+s3] =	stream.linear.scatter [tilespmem:s18], [sflag:$0x3], $0x4000, $0x38;
	[tilespmem:$0x12140] =	vst v63  }
0x2b: {  	_ =	swait.ge [sflag:s21], $0x4000  }
0x2c: {  	[sflag:s21] =	ssyncset.done $0x0  }
0x2d: {  	s26 =	simm.s32 $0x3;
	s25 =	sadd.s32 $0x1800, s22;
	[sflag:s21] =	ssyncadd.s32 $0xFFFFC000  }
0x2e: {  	[hbm4b:s25+s3] =	stream.linear.scatter [tilespmem:s20], [sflag:$0x3], $0x4000, $0x38;
	[tilespmem:$0x12140] =	vst v63  }
0x2f: {  	s28 =	ssub.s32 $0x2, s28;
	_ =	swait.ge [sflag:s26], $0x4000  }
0x30: {  	s29 =	sshrl.u32 s28, $0x1;
	[sflag:s26] =	ssyncset.done $0x0  }
0x31: {  	s28 =	ssub.s32 s28, s29;
	[sflag:s26] =	ssyncadd.s32 $0xFFFFC000  }
0x32: {  	s28 =	smax.u32 s28, $0x1;
	_ =	swait.ge [sflag:s26], $0x4000  }
0x33: {  	s28 =	sadd.s32 $0xFFFFFFFF, s28;
	[sflag:s26] =	ssyncset.done $0x0  }
0x34: {  	p1 =	sne.s32 s28, $0x0;
	[sflag:s26] =	ssyncadd.s32 $0xFFFFC000  }
.Ltmp0:
0x35: {  	_ =	swait.ge [sflag:s26], $0x4000;
	(pc) =	sbr.rel @!p1 .LBB2_2-.Ltmp0, $4  }
0x36: {  	[sflag:s26] =	ssyncset.done $0x0  }
0x37: {  	[sflag:s26] =	ssyncadd.s32 $0xFFFFC000  }
0x38: {  	_ =	swait.ge [sflag:s26], $0x4000  }
0x39: {  	[sflag:s26] =	ssyncset.done $0x0  }
.LBB2_1:
0x3a: {  	[sflag:s26] =	ssyncadd.s32 $0xFFFFC000  }
0x3b: {  	[tilespmem:s3], [sflag:$0x2] =	stream.linear.gather [hbm4b:s4+s3], $0x200, $0x38;
	[tilespmem:$0x12140] =	vst v63  }
0x3c: {  	[spmem:s6], [sflag:s7] =	dma.local @p0 [hbm:s5], $0x280  }
0x3d: {  	s28 =	sadd.s32 $0xFFFFFFFF, s28;
	_ =	swait.ge @p0 [sflag:s8], $0x280  }
0x3e: {  	p1 =	sne.s32 s28, $0x0;
	[sflag:s8] =	ssyncset.done @p0 $0x0  }
0x3f: {  	[sflag:s8] =	ssyncadd.s32 @p0 $0xFFFFFD80  }
0x40: {  	[spmem:s11], [sflag:s10] =	dma.local @!p0 [hbm:s9], $0x400  }
0x41: {  	_ =	swait.ge @!p0 [sflag:s12], $0x400  }
0x42: {  	[sflag:s12] =	ssyncset.done @!p0 $0x0  }
0x43: {  	[sflag:s12] =	ssyncadd.s32 @!p0 $0xFFFFFC00  }
0x44: {  	_ =	swait.ge [sflag:s13], $0x200  }
0x45: {  	[sflag:s13] =	ssyncset.done $0x0  }
0x46: {  	[sflag:s13] =	ssyncadd.s32 $0xFFFFFE00  }
0x47: {  	[bflag:$0x0] =	sbarrier.arrive $0xFFFF  }
0x48: {  	[tilespmem:s15], [sflag:$0x1] =	stream.indirect.gather [spmem:s2], $0x80, s3, s14, $0xb8;
	[tilespmem:$0x12140] =	vst v63  }
0x49: {  	_ = 	snop  }
0x4a: {  	[tilespmem:s16], [sflag:$0x1] =	stream.indirect.gather [spmem:s2], $0x80, s14, s14, $0xb8;
	[tilespmem:$0x12140] =	vst v63  }
0x4b: {  	_ = 	snop  }
0x4c: {  	[tilespmem:s18], [sflag:$0x1] =	stream.indirect.gather [spmem:s2], $0x80, s17, s14, $0xb8;
	[tilespmem:$0x12140] =	vst v63  }
0x4d: {  	_ = 	snop  }
0x4e: {  	[tilespmem:s20], [sflag:$0x1] =	stream.indirect.gather [spmem:s2], $0x80, s19, s14, $0xb8;
	[tilespmem:$0x12140] =	vst v63  }
0x4f: {  	_ =	swait.ge [sflag:s21], $0x4000  }
0x50: {  	[sflag:s21] =	ssyncset.done $0x0  }
0x51: {  	[sflag:s21] =	ssyncadd.s32 $0xFFFFC000  }
0x52: {  	[hbm4b:s22+s3] =	stream.linear.scatter [tilespmem:s15], [sflag:$0x3], $0x4000, $0x38;
	[tilespmem:$0x12140] =	vst v63  }
0x53: {  	_ =	swait.ge [sflag:s21], $0x4000  }
0x54: {  	[sflag:s21] =	ssyncset.done $0x0  }
0x55: {  	[sflag:s21] =	ssyncadd.s32 $0xFFFFC000  }
0x56: {  	[hbm4b:s23+s3] =	stream.linear.scatter [tilespmem:s16], [sflag:$0x3], $0x4000, $0x38;
	[tilespmem:$0x12140] =	vst v63  }
0x57: {  	_ =	swait.ge [sflag:s21], $0x4000  }
0x58: {  	[sflag:s21] =	ssyncset.done $0x0  }
0x59: {  	[sflag:s21] =	ssyncadd.s32 $0xFFFFC000  }
0x5a: {  	[hbm4b:s24+s3] =	stream.linear.scatter [tilespmem:s18], [sflag:$0x3], $0x4000, $0x38;
	[tilespmem:$0x12140] =	vst v63  }
0x5b: {  	_ =	swait.ge [sflag:s21], $0x4000  }
0x5c: {  	[sflag:s21] =	ssyncset.done $0x0  }
0x5d: {  	[sflag:s21] =	ssyncadd.s32 $0xFFFFC000  }
0x5e: {  	[hbm4b:s25+s3] =	stream.linear.scatter [tilespmem:s20], [sflag:$0x3], $0x4000, $0x38;
	[tilespmem:$0x12140] =	vst v63  }
0x5f: {  	_ =	swait.ge [sflag:s26], $0x4000  }
0x60: {  	[sflag:s26] =	ssyncset.done $0x0  }
0x61: {  	[sflag:s26] =	ssyncadd.s32 $0xFFFFC000  }
0x62: {  	_ =	swait.ge [sflag:s26], $0x4000  }
0x63: {  	[sflag:s26] =	ssyncset.done $0x0  }
0x64: {  	[sflag:s26] =	ssyncadd.s32 $0xFFFFC000  }
.Ltmp1:
0x65: {  	_ =	swait.ge [sflag:s26], $0x4000;
	(pc) =	sbr.rel @p1 .LBB2_1-.Ltmp1, $4  }
0x66: {  	[sflag:s26] =	ssyncset.done $0x0  }
0x67: {  	[sflag:s26] =	ssyncadd.s32 $0xFFFFC000  }
0x68: {  	_ =	swait.ge [sflag:s26], $0x4000  }
0x69: {  	[sflag:s26] =	ssyncset.done $0x0  }
.LBB2_2:
0x6a: {  	[sflag:s26] =	ssyncadd.s32 $0xFFFFC000  }
0x6b: {  	_ =	sfence.sel $0x180000  }
0x6c: {  	[bflag:$0x0] =	sbarrier.arrive $0xFFFF  }
0x6d: {  	p0 =	sne.s32 s0, $0x0;
	_ =	strace $0x90000047  }
0x6e: {  	s0 =	sadd.s32 @!p0 $0x100000, s1;
	[bflag:$0x2] =	sbarrier.arrive $0xFFFF  }
0x6f: {  	[sflag:s0] =	ssyncadd.tile.s32 @!p0 $0x1;
	_ =	shalt  }
.Lfunc_end2:
_tile_overlayer_lowered:
.L_overlay_start_2:
0x70: {  	(tag) =	ssettag $0x2  }
0x71: {  	s0 =	rddreg [dreg:$0x0];
	s2 =	stileid.u32  }
0x72: {  	s1 =	rddreg [dreg:$0x1];
	p0 =	sne.s32 s2, $0x0  }
0x73: {  	s3 =	rddreg [dreg:$0x2];
	[bflag:$0x3] =	sbarrier.arrive $0xFFFF;
	s2 =	simm.s32 @!p0 $0x1C04  }
0x74: {  	[timem:s3], [sflag:s2] =	dma.local @!p0 [hbm:s0], s1  }
0x75: {  	s0 =	simm.s32 @!p0 $0x4  }
0x76: {  	_ =	swait.ge @!p0 [sflag:s0], s1  }
0x77: {  	s1 =	ssub.s32 @!p0 $0x0, s1;
	[sflag:s0] =	ssyncset.done @!p0 $0x0  }
0x78: {  	[sflag:s0] =	ssyncadd.s32 @!p0 s1  }
0x79: {  	[bflag:$0x3] =	sbarrier.arrive $0xFFFF  }
0x7a: {  	_ =	shalt  }

</sc_bundles>
